<compile_context>
chip_gen: v7x
topology: tpu7x:2x2x1
jax: 0.10.2.dev20260603
libtpu: 0.0.44.dev20260713+nightly
codegen_flags: <defaults>
</compile_context>

<pallas_src>
import dataclasses
import functools

import jax
import jax.numpy as jnp
from jax import lax
from jax.experimental import pallas as pl
from jax.experimental.pallas import tpu as pltpu
from jax.experimental.pallas import tpu_sc as plsc

N = 10000
E = 160000
D_IN = 256
D_EDGE = 16
H = 256
OUT = 256
L = 3

BN = 1024
BE = 2000


def _pack_bf16(lo, hi):
    lo16 = jax.lax.bitcast_convert_type(lo.astype(jnp.bfloat16), jnp.uint16)
    hi16 = jax.lax.bitcast_convert_type(hi.astype(jnp.bfloat16), jnp.uint16)
    w = lo16.astype(jnp.uint32) | (hi16.astype(jnp.uint32) << 16)
    return jax.lax.bitcast_convert_type(w, jnp.float32)


def _ln(x, g, b, eps=1e-5):
    mu = jnp.mean(x, axis=-1, keepdims=True)
    var = jnp.mean((x - mu) ** 2, axis=-1, keepdims=True)
    return (x - mu) / jnp.sqrt(var + eps) * g + b



def _node_enc_kernel(x_ref, w_ref, b_ref, g_ref, bb_ref, h_ref, tf_ref, t_ref):
    h = jnp.dot(x_ref[...], w_ref[...], preferred_element_type=jnp.float32)
    h = h + b_ref[...]
    h_ref[...] = h
    t = jax.nn.relu(_ln(h, g_ref[...], bb_ref[...]))
    tf_ref[...] = t
    t_ref[...] = jnp.concatenate(
        [_pack_bf16(t[:, :64], t[:, 64:128]),
         _pack_bf16(t[:, 128:192], t[:, 192:])], axis=-1)


def _node_encoder(x, w, b, g, bb):
    nblk = NP // BN
    return pl.pallas_call(
        _node_enc_kernel,
        grid=(nblk,),
        in_specs=[
            pl.BlockSpec((BN, D_IN), lambda i: (i, 0)),
            pl.BlockSpec((D_IN, H), lambda i: (0, 0)),
            pl.BlockSpec((1, H), lambda i: (0, 0)),
            pl.BlockSpec((1, H), lambda i: (0, 0)),
            pl.BlockSpec((1, H), lambda i: (0, 0)),
        ],
        out_specs=[
            pl.BlockSpec((BN, H), lambda i: (i, 0)),
            pl.BlockSpec((BN, H), lambda i: (i, 0)),
            pl.BlockSpec((BN, 128), lambda i: (i, 0)),
        ],
        out_shape=[
            jax.ShapeDtypeStruct((NP, H), jnp.float32),
            jax.ShapeDtypeStruct((NP, H), jnp.float32),
            jax.ShapeDtypeStruct((NP, 128), jnp.float32),
        ],
    )(x, w, b.reshape(1, H), g.reshape(1, H), bb.reshape(1, H))



def _edge_enc_kernel(a_ref, w_ref, b_ref, o_ref):
    ea = jnp.dot(a_ref[...], w_ref[...], preferred_element_type=jnp.float32)
    ea = ea + b_ref[...]
    o_ref[0] = _pack_bf16(ea[:, :64], ea[:, 64:128])
    o_ref[1] = _pack_bf16(ea[:, 128:192], ea[:, 192:])


def _edge_encoder(a, w, b):
    nblk = E // BE
    return pl.pallas_call(
        _edge_enc_kernel,
        grid=(nblk,),
        in_specs=[
            pl.BlockSpec((BE, D_EDGE), lambda i: (i, 0)),
            pl.BlockSpec((D_EDGE, H), lambda i: (0, 0)),
            pl.BlockSpec((1, H), lambda i: (0, 0)),
        ],
        out_specs=pl.BlockSpec((2, BE, 64), lambda i: (0, i, 0)),
        out_shape=jax.ShapeDtypeStruct((2, E, 64), jnp.float32),
    )(a, w, b.reshape(1, H))



def _mlp_mid_kernel(ssa_ref, ssb_ref, dinv_ref, eps_ref, t_ref, h_ref,
                    w1_ref, b1_ref, g1_ref, bb1_ref, w2_ref, b2_ref,
                    gn_ref, bn_ref, h_out, tf_out, t_out):
    aggr = jnp.concatenate([ssa_ref[...], ssb_ref[...]], axis=-1)
    aggr = aggr * dinv_ref[...] + eps_ref[...]
    out = aggr + t_ref[...]
    m = jnp.dot(out, w1_ref[...], preferred_element_type=jnp.float32) + b1_ref[...]
    m = jax.nn.relu(_ln(m, g1_ref[...], bb1_ref[...]))
    m = jnp.dot(m, w2_ref[...], preferred_element_type=jnp.float32) + b2_ref[...]
    h_new = h_ref[...] + m
    h_out[...] = h_new
    tn = jax.nn.relu(_ln(h_new, gn_ref[...], bn_ref[...]))
    tf_out[...] = tn
    t_out[...] = jnp.concatenate(
        [_pack_bf16(tn[:, :64], tn[:, 64:128]),
         _pack_bf16(tn[:, 128:192], tn[:, 192:])], axis=-1)


def _mlp_last_kernel(ssa_ref, ssb_ref, dinv_ref, eps_ref, t_ref, h_ref,
                     w1_ref, b1_ref, g1_ref, bb1_ref, w2_ref, b2_ref,
                     gn_ref, bn_ref, wo_ref, bo_ref, y_out):
    aggr = jnp.concatenate([ssa_ref[...], ssb_ref[...]], axis=-1)
    aggr = aggr * dinv_ref[...] + eps_ref[...]
    out = aggr + t_ref[...]
    m = jnp.dot(out, w1_ref[...], preferred_element_type=jnp.float32) + b1_ref[...]
    m = jax.nn.relu(_ln(m, g1_ref[...], bb1_ref[...]))
    m = jnp.dot(m, w2_ref[...], preferred_element_type=jnp.float32) + b2_ref[...]
    h_new = h_ref[...] + m
    y = jax.nn.relu(_ln(h_new, gn_ref[...], bn_ref[...]))
    y_out[...] = jnp.dot(y, wo_ref[...], preferred_element_type=jnp.float32) + bo_ref[...]


def _mlp_block(ssf, dinv, eps_row, t, h, w1, b1, g1, bb1, w2, b2, gn, bn,
               wo=None, bo=None):
    nblk = NP // BN
    in_specs = [
        pl.BlockSpec((BN, 128), lambda i: (i, 0)),
        pl.BlockSpec((BN, 128), lambda i: (NP // BN + i, 0)),
        pl.BlockSpec((BN, 1), lambda i: (i, 0)),
        pl.BlockSpec((BN, 1), lambda i: (i, 0)),
        pl.BlockSpec((BN, H), lambda i: (i, 0)),
        pl.BlockSpec((BN, H), lambda i: (i, 0)),
        pl.BlockSpec((H, 2 * H), lambda i: (0, 0)),
        pl.BlockSpec((1, 2 * H), lambda i: (0, 0)),
        pl.BlockSpec((1, 2 * H), lambda i: (0, 0)),
        pl.BlockSpec((1, 2 * H), lambda i: (0, 0)),
        pl.BlockSpec((2 * H, H), lambda i: (0, 0)),
        pl.BlockSpec((1, H), lambda i: (0, 0)),
        pl.BlockSpec((1, H), lambda i: (0, 0)),
        pl.BlockSpec((1, H), lambda i: (0, 0)),
    ]
    args = [ssf, ssf, dinv, eps_row, t, h, w1, b1.reshape(1, -1), g1.reshape(1, -1),
            bb1.reshape(1, -1), w2, b2.reshape(1, -1), gn.reshape(1, -1),
            bn.reshape(1, -1)]
    if wo is None:
        return pl.pallas_call(
            _mlp_mid_kernel,
            grid=(nblk,),
            in_specs=in_specs,
            out_specs=[
                pl.BlockSpec((BN, H), lambda i: (i, 0)),
                pl.BlockSpec((BN, H), lambda i: (i, 0)),
                pl.BlockSpec((BN, 128), lambda i: (i, 0)),
            ],
            out_shape=[
                jax.ShapeDtypeStruct((NP, H), jnp.float32),
                jax.ShapeDtypeStruct((NP, H), jnp.float32),
                jax.ShapeDtypeStruct((NP, 128), jnp.float32),
            ],
        )(*args)
    in_specs += [
        pl.BlockSpec((H, OUT), lambda i: (0, 0)),
        pl.BlockSpec((1, OUT), lambda i: (0, 0)),
    ]
    args += [wo, bo.reshape(1, OUT)]
    return pl.pallas_call(
        _mlp_last_kernel,
        grid=(nblk,),
        in_specs=in_specs,
        out_specs=pl.BlockSpec((BN, OUT), lambda i: (i, 0)),
        out_shape=jax.ShapeDtypeStruct((NP, OUT), jnp.float32),
    )(*args)



_SC_MESH = plsc.VectorSubcoreMesh(core_axis_name="c", subcore_axis_name="s")
NSUB = 16
C = 40
EPW = E // NSUB
NCHUNK = EPW // C
NSLOT = 4
NB = 8
NROW = E // C
NP = 10240

_SC_PARAMS = pltpu.CompilerParams()
if "needs_layout_passes" in pltpu.CompilerParams.__dataclass_fields__:
    _SC_PARAMS = dataclasses.replace(_SC_PARAMS, needs_layout_passes=False)


def _edge_sc_body(t_hbm, ea_hbm, src_hbm, dst_hbm, out_hbm,
                  acc, rows, eab, sidx, didx,
                  sem_si, sem_di, sem_ea, sem_g, sem_sc):
    c = lax.axis_index("c")
    s = lax.axis_index("s")
    e_off = s * EPW
    ea_row0 = c * E + s * EPW
    acc_row0 = s * (NP // NSUB)
    half = c * 64

    @pl.loop(0, C)
    def _(r):
        for col in range(0, 128, 16):
            rows[0, r, pl.ds(col, 16)] = jnp.zeros((16,), jnp.float32)

    @pl.loop(0, (NP // NSUB) // C)
    def _(k):
        pltpu.sync_copy(rows.at[0], acc.at[pl.ds(acc_row0 + k * C, C)])

    plsc.subcore_barrier()

    def fetch(g):
        b = lax.rem(g, NSLOT)
        bd = lax.rem(g, NB)
        pltpu.async_copy(src_hbm.at[pl.ds(e_off + g * C, C)], sidx.at[b],
                         sem_si.at[b])
        pltpu.async_copy(dst_hbm.at[pl.ds(e_off + g * C, C)], didx.at[bd],
                         sem_di.at[bd])
        pltpu.async_copy(ea_hbm.at[pl.ds(ea_row0 + g * C, C)], eab.at[b],
                         sem_ea.at[b])

    def drain_scatter(g):
        b = lax.rem(g, NSLOT)
        bd = lax.rem(g, NB)
        pltpu.make_async_copy(rows.at[b], acc.at[didx.at[bd]],
                              sem_sc.at[b]).wait()

    def fire(g):
        b = lax.rem(g, NSLOT)
        pltpu.make_async_copy(src_hbm.at[pl.ds(e_off + g * C, C)],
                              sidx.at[b], sem_si.at[b]).wait()
        pltpu.async_copy(t_hbm.at[sidx.at[b]], rows.at[b], sem_g.at[b])

    def compute(g):
        b = lax.rem(g, NSLOT)
        bd = lax.rem(g, NB)
        pltpu.make_async_copy(dst_hbm.at[pl.ds(e_off + g * C, C)],
                              didx.at[bd], sem_di.at[bd]).wait()
        pltpu.make_async_copy(ea_hbm.at[pl.ds(ea_row0 + g * C, C)], eab.at[b],
                              sem_ea.at[b]).wait()
        pltpu.make_async_copy(t_hbm.at[sidx.at[b]], rows.at[b],
                              sem_g.at[b]).wait()

        @plsc.parallel_loop(0, C, unroll=4)
        def _(r):
            for w in range(4):
                tv = plsc.bitcast(rows[b, r, pl.ds(half + w * 16, 16)],
                                  jnp.bfloat16)
                ev = plsc.bitcast(eab[b, r, pl.ds(w * 16, 16)], jnp.bfloat16)
                m = jnp.maximum(tv + ev, 0.0)
                a0, a1 = plsc.unpack(m, format=plsc.PackFormat.INTERLEAVED)
                rows[b, r, pl.ds(w * 16, 16)] = a0
                rows[b, r, pl.ds(64 + w * 16, 16)] = a1

        pltpu.async_copy(rows.at[b], acc.at[didx.at[bd]], sem_sc.at[b],
                         add=True)

    fetch(0)
    fetch(1)
    fetch(2)
    fetch(3)
    fire(0)
    fire(1)

    @pl.loop(0, NCHUNK)
    def _(g):
        @pl.when(g + 2 < NCHUNK)
        def _():
            @pl.when(g >= 2)
            def _():
                drain_scatter(g - 2)
            fire(g + 2)

        compute(g)

        @pl.when(g + 4 < NCHUNK)
        def _():
            fetch(g + 4)

    drain_scatter(NCHUNK - 4)
    drain_scatter(NCHUNK - 3)
    drain_scatter(NCHUNK - 2)
    drain_scatter(NCHUNK - 1)

    plsc.subcore_barrier()
    pltpu.sync_copy(acc.at[pl.ds(acc_row0, NP // NSUB)],
                    out_hbm.at[pl.ds(c * NP + acc_row0, NP // NSUB)])


@jax.jit
def _edge_pass_sc(t_packed, ea_flat, src1, dst1):
    f = pl.kernel(
        _edge_sc_body,
        out_type=jax.ShapeDtypeStruct((2 * NP, 128), jnp.float32),
        mesh=_SC_MESH,
        scratch_types=[
            pltpu.VMEM_SHARED((NP, 128), jnp.float32),
            pltpu.VMEM((NSLOT, C, 128), jnp.float32),
            pltpu.VMEM((NSLOT, C, 64), jnp.float32),
            pltpu.VMEM((NSLOT, C), jnp.int32),
            pltpu.VMEM((NB, C), jnp.int32),
            pltpu.SemaphoreType.DMA((NSLOT,)),
            pltpu.SemaphoreType.DMA((NB,)),
            pltpu.SemaphoreType.DMA((NSLOT,)),
            pltpu.SemaphoreType.DMA((NSLOT,)),
            pltpu.SemaphoreType.DMA((NSLOT,)),
        ],
        compiler_params=_SC_PARAMS,
    )
    return f(t_packed, ea_flat, src1, dst1)



NPAD = 10240
EDEG = E // 32


def _deg_sc_body(dst_hbm, out_hbm, hist, dbuf, sbuf, shared, sem):
    c = lax.axis_index("c")
    s = lax.axis_index("s")
    w = c * NSUB + s

    @pl.loop(0, NPAD, step=16)
    def _(i):
        hist[pl.ds(i, 16)] = jnp.zeros((16,), jnp.float32)

    pltpu.sync_copy(dst_hbm.at[pl.ds(w * EDEG, EDEG)], dbuf)
    ones = jnp.ones((16,), jnp.float32)

    @pl.loop(0, EDEG - 16, step=16)
    def _(i):
        plsc.addupdate_scatter(hist, [dbuf[pl.ds(i, 16)]], ones)

    tail_mask = lax.iota(jnp.int32, 16) >= 8
    plsc.addupdate_scatter(hist, [dbuf[pl.ds(EDEG - 16, 16)]], ones,
                           mask=tail_mask)

    pltpu.sync_copy(hist, shared.at[s])
    plsc.subcore_barrier()

    col0 = s * (NPAD // NSUB)
    pltpu.sync_copy(shared.at[:, pl.ds(col0, NPAD // NSUB)], sbuf)

    @pl.loop(0, NPAD // NSUB, step=16)
    def _(i):
        v = sbuf[0, pl.ds(i, 16)]
        for r in range(1, NSUB):
            v = v + sbuf[r, pl.ds(i, 16)]
        hist[pl.ds(i, 16)] = v

    pltpu.sync_copy(hist.at[pl.ds(0, NPAD // NSUB)],
                    out_hbm.at[c].at[pl.ds(col0, NPAD // NSUB)])


@jax.jit
def _degree_sc(dst):
    f = pl.kernel(
        _deg_sc_body,
        out_type=jax.ShapeDtypeStruct((2, NPAD), jnp.float32),
        mesh=_SC_MESH,
        scratch_types=[
            pltpu.VMEM((NPAD,), jnp.float32),
            pltpu.VMEM((EDEG,), jnp.int32),
            pltpu.VMEM((NSUB, NPAD // NSUB), jnp.float32),
            pltpu.VMEM_SHARED((NSUB, NPAD), jnp.float32),
            pltpu.SemaphoreType.DMA,
        ],
        compiler_params=_SC_PARAMS,
    )
    return f(dst)



def kernel(x, edge_index, edge_attr, W_node, b_node, W_edge, b_edge,
           ln_g, ln_b, W1, b1, lng1, lnb1, W2, b2,
           gamma_out, beta_out, W_out, b_out):
    src = edge_index[0]
    dst = edge_index[1]

    x_pad = jnp.pad(x, ((0, NP - N), (0, 0)))
    h, tf, tsc = _node_encoder(x_pad, W_node, b_node, ln_g[0], ln_b[0])
    ea = _edge_encoder(edge_attr, W_edge, b_edge)
    ea_flat = ea.reshape(2 * E, 64)

    cntp = _degree_sc(dst)
    cnt = cntp[0] + cntp[1]
    dinv = (1.0 / jnp.maximum(cnt, 1.0)).reshape(NP, 1)
    eps_row = jnp.where(cnt > 0.0, jnp.float32(1e-7), 0.0).reshape(NP, 1)

    for i in range(L):
        ssf = _edge_pass_sc(tsc, ea_flat, src, dst)
        if i < L - 1:
            h, tf, tsc = _mlp_block(ssf, dinv, eps_row, tf, h, W1[i], b1[i],
                                    lng1[i], lnb1[i], W2[i], b2[i],
                                    ln_g[i + 1], ln_b[i + 1])
        else:
            y = _mlp_block(ssf, dinv, eps_row, tf, h, W1[i], b1[i], lng1[i],
                           lnb1[i], W2[i], b2[i], gamma_out, beta_out,
                           W_out, b_out)
    return y[:N]

# --- scband reference (transcript-rebuilt; emitter-appended) ---
"""Pipeline reference for scband-gipa-deeper-gcn-26139170963711 (READ-ONLY COPY).

The authoritative reference and input builder live on the scoring server;
editing this copy changes nothing except your own understanding.
"""

import jax, jax.numpy as jnp
import numpy as np

N = 10000
E = 160000
D_IN = 256
D_EDGE = 16
H = 256
OUT = 256
L = 3


def layer_norm(x, g, b, eps=1e-5):
    mu = jnp.mean(x, axis=-1, keepdims=True)
    var = jnp.mean((x - mu) ** 2, axis=-1, keepdims=True)
    return (x - mu) / jnp.sqrt(var + eps) * g + b


def setup_inputs(seed: int = 0) -> dict:
    key = jax.random.key(seed)
    ks = jax.random.split(key, 24)
    d = {}
    d['x'] = jax.random.normal(ks[0], (N, D_IN), dtype=jnp.float32)
    d['edge_index'] = jax.random.randint(ks[1], (2, E), 0, N, dtype=jnp.int32)
    d['edge_attr'] = jax.random.normal(ks[2], (E, D_EDGE), dtype=jnp.float32)
    # encoders
    d['W_node'] = jax.random.normal(ks[3], (D_IN, H), dtype=jnp.float32) * 0.05
    d['b_node'] = jnp.zeros((H,), jnp.float32)
    d['W_edge'] = jax.random.normal(ks[4], (D_EDGE, H), dtype=jnp.float32) * 0.05
    d['b_edge'] = jnp.zeros((H,), jnp.float32)
    # per-layer DeepGCN norms (pre-activation LayerNorm params)
    d['ln_g'] = jnp.ones((L, H), jnp.float32)
    d['ln_b'] = jnp.zeros((L, H), jnp.float32)
    # per-layer GENConv MLP: Linear(H,2H) -> LayerNorm(2H) -> ReLU -> Linear(2H,H)
    d['W1'] = jax.random.normal(ks[5], (L, H, 2 * H), dtype=jnp.float32) * 0.05
    d['b1'] = jnp.zeros((L, 2 * H), jnp.float32)
    d['lng1'] = jnp.ones((L, 2 * H), jnp.float32)
    d['lnb1'] = jnp.zeros((L, 2 * H), jnp.float32)
    d['W2'] = jax.random.normal(ks[6], (L, 2 * H, H), dtype=jnp.float32) * 0.05
    d['b2'] = jnp.zeros((L, H), jnp.float32)
    # output head
    d['gamma_out'] = jnp.ones((H,), jnp.float32)
    d['beta_out'] = jnp.zeros((H,), jnp.float32)
    d['W_out'] = jax.random.normal(ks[7], (H, OUT), dtype=jnp.float32) * 0.05
    d['b_out'] = jnp.zeros((OUT,), jnp.float32)
    return d


def reference(x, edge_index, edge_attr, W_node, b_node, W_edge, b_edge,
              ln_g, ln_b, W1, b1, lng1, lnb1, W2, b2,
              gamma_out, beta_out, W_out, b_out):
    src = edge_index[0]
    dst = edge_index[1]
    h = x @ W_node + b_node
    ea = edge_attr @ W_edge + b_edge
    n = h.shape[0]
    deg = jax.ops.segment_sum(jnp.ones((src.shape[0],), jnp.float32), dst, num_segments=n)
    deg = jnp.maximum(deg, 1.0)[:, None]
    for i in range(L):
        # DeepGCNLayer res+: norm -> act -> dropout(eval: identity) -> conv -> residual
        t = layer_norm(h, ln_g[i], ln_b[i])
        t = jax.nn.relu(t)
        # GENConv(aggr='mean'): message = relu(x_j + edge_attr) + eps; mean-aggregate; add root; MLP
        msg = jax.nn.relu(t[src] + ea) + 1e-7
        aggr = jax.ops.segment_sum(msg, dst, num_segments=n) / deg
        out = aggr + t
        m = out @ W1[i] + b1[i]
        m = layer_norm(m, lng1[i], lnb1[i])
        m = jax.nn.relu(m)
        m = m @ W2[i] + b2[i]
        h = h + m
    h = layer_norm(h, gamma_out, beta_out)
    h = jax.nn.relu(h)
    # dropout identity in eval
    return h @ W_out + b_out

if __name__ == "__main__":
    import jax
    _d = setup_inputs()
    print(jax.jit(kernel)(*tuple(_d.values())))

</pallas_src>

<mosaic_0001>
#map = affine_map<(d0, d1) -> (0)>
#map1 = affine_map<(d0, d1) -> (0, 0)>
module attributes {stable_mosaic.version = 14 : i64} {
  func.func @_deg_sc_body(%arg0: i32, %arg1: i32, %arg2: memref<160000xi32, #tpu.memory_space<hbm>>, %arg3: memref<2x10240xf32, #tpu.memory_space<hbm>>, %arg4: memref<10240xf32, #tpu.memory_space<vmem>>, %arg5: memref<5000xi32, #tpu.memory_space<vmem>>, %arg6: memref<16x640xf32, #tpu.memory_space<vmem>>, %arg7: memref<16x10240xf32, #tpu.memory_space<vmem_shared>>, %arg8: memref<!tpu.dma_semaphore, #tpu.memory_space<semaphore_mem>>) attributes {dimension_semantics = [#tpu.dimension_semantics<core_parallel>, #tpu.dimension_semantics<subcore_parallel>], iteration_bounds = array<i64: 2, 16>, scalar_prefetch = 0 : i64, scratch_operands = 5 : i64, tpu.core_type = #tpu.core_type<sc_vector_subcore>, window_params = [{transform_indices = #map}, {transform_indices = #map1}]} {
    %mul3A = arith.constant 16 : i32
    %mul3A_0 = arith.muli %arg0, %mul3A : i32
    %add3A = arith.addi %mul3A_0, %arg1 : i32
    %scan3A = arith.constant 0 : i32
    %scan3A_1 = arith.constant 640 : i32
    %scan3A_2 = arith.addi %scan3A, %scan3A_1 : i32
    %scan3A_3 = arith.constant 1 : i32
    scf.for %scan3A_23 = %scan3A to %scan3A_2 step %scan3A_3  : i32 {
      %mul3A_24 = arith.constant 16 : i32
      %mul3A_25 = arith.muli %scan3A_23, %mul3A_24 : i32
      %add3A_26 = arith.constant 0 : i32
      %add3A_27 = arith.addi %add3A_26, %mul3A_25 : i32
      %broadcast_in_dim3A_28 = arith.constant 0.000000e+00 : f32
      %broadcast_in_dim3A_29 = vector.broadcast %broadcast_in_dim3A_28 : f32 to vector<16xf32>
      %swap3A = arith.index_cast %add3A_27 : i32 to index
      %swap3A_30 = tpu.vector_load %arg4[%swap3A] {strides = array<i32>} : memref<10240xf32, #tpu.memory_space<vmem>>, vector<16xf32>,
      tpu.vector_store %arg4[%swap3A], %broadcast_in_dim3A_29 {strides = array<i32>} : memref<10240xf32, #tpu.memory_space<vmem>>, vector<16xf32>,
    }
    %scan3A_4 = arith.constant 640 : i32
    %mul3A_5 = arith.constant 5000 : i32
    %mul3A_6 = arith.muli %add3A, %mul3A_5 : i32
    "tpu.region"() ({
      %run_scoped3A = tpu.sem_alloc : memref<!tpu.dma_semaphore, #tpu.memory_space<semaphore_mem>>
      %dma_start3A = tpu.memref_slice %arg2[%mul3A_6] : memref<160000xi32, #tpu.memory_space<hbm>> -> memref<5000xi32, #tpu.memory_space<hbm>>
      %dma_start3A_23 = tpu.memref_slice %arg2[%mul3A_6] : memref<160000xi32, #tpu.memory_space<hbm>> -> memref<5000xi32, #tpu.memory_space<hbm>>
      tpu.enqueue_dma source(%dma_start3A_23 : memref<5000xi32, #tpu.memory_space<hbm>>) target(%arg5 : memref<5000xi32, #tpu.memory_space<vmem>>) target_semaphore(%run_scoped3A : memref<!tpu.dma_semaphore, #tpu.memory_space<semaphore_mem>>)
      %dma_wait3A = tpu.memref_slice %arg2[%mul3A_6] : memref<160000xi32, #tpu.memory_space<hbm>> -> memref<5000xi32, #tpu.memory_space<hbm>>
      %dma_wait3A_24 = tpu.memref_slice %arg2[%mul3A_6] : memref<160000xi32, #tpu.memory_space<hbm>> -> memref<5000xi32, #tpu.memory_space<hbm>>
      tpu.wait_dma2 semaphore(%run_scoped3A : memref<!tpu.dma_semaphore, #tpu.memory_space<semaphore_mem>>) src(%dma_wait3A_24 : memref<5000xi32, #tpu.memory_space<hbm>>) dst(%arg5 : memref<5000xi32, #tpu.memory_space<vmem>>)
      tpu.yield
    }) : () -> ()
    %broadcast_in_dim3A = arith.constant 1.000000e+00 : f32
    %broadcast_in_dim3A_7 = vector.broadcast %broadcast_in_dim3A : f32 to vector<16xf32>
    %scan3A_8 = arith.constant 0 : i32
    %scan3A_9 = arith.constant 312 : i32
    %scan3A_10 = arith.addi %scan3A_8, %scan3A_9 : i32
    %scan3A_11 = arith.constant 1 : i32
    scf.for %scan3A_23 = %scan3A_8 to %scan3A_10 step %scan3A_11  : i32 {
      %mul3A_24 = arith.constant 16 : i32
      %mul3A_25 = arith.muli %scan3A_23, %mul3A_24 : i32
      %add3A_26 = arith.constant 0 : i32
      %add3A_27 = arith.addi %add3A_26, %mul3A_25 : i32
      %get3A_28 = arith.index_cast %add3A_27 : i32 to index
      %get3A_29 = tpu.vector_load %arg5[%get3A_28] {strides = array<i32>} : memref<5000xi32, #tpu.memory_space<vmem>>, vector<16xi32>,
      tpu.vector_store_idx %arg4[%get3A_29], %broadcast_in_dim3A_7 {add = true} : memref<10240xf32, #tpu.memory_space<vmem>>[vector<16xi32>], vector<16xf32>,
    }
    %scan3A_12 = arith.constant 312 : i32
    %iota3A = tpu.iota {dimensions = array<i32: 0>} : vector<16xi32>
    %ge3A = arith.constant 8 : i32
    %ge3A_13 = vector.broadcast %ge3A : i32 to vector<16xi32>
    %ge3A_14 = arith.cmpi sge, %iota3A, %ge3A_13 : vector<16xi32>
    %get3A = arith.constant 4984 : index
    %get3A_15 = tpu.vector_load %arg5[%get3A] {strides = array<i32>} : memref<5000xi32, #tpu.memory_space<vmem>>, vector<16xi32>,
    tpu.vector_store_idx %arg4[%get3A_15], %broadcast_in_dim3A_7 masked %ge3A_14 {add = true} : memref<10240xf32, #tpu.memory_space<vmem>>[vector<16xi32>], vector<16xf32>, vector<16xi1>
    "tpu.region"() ({
      %run_scoped3A = tpu.sem_alloc : memref<!tpu.dma_semaphore, #tpu.memory_space<semaphore_mem>>
      %dma_start3A = arith.constant 0 : i32
      %dma_start3A_23 = tpu.memref_slice %arg7[%arg1, %dma_start3A] : memref<16x10240xf32, #tpu.memory_space<vmem_shared>> -> memref<1x10240xf32, #tpu.memory_space<vmem_shared>>
      %dma_start3A_24 = tpu.memref_squeeze %dma_start3A_23 : memref<1x10240xf32, #tpu.memory_space<vmem_shared>> -> memref<10240xf32, #tpu.memory_space<vmem_shared>>
      %dma_start3A_25 = arith.constant 0 : i32
      %dma_start3A_26 = tpu.memref_slice %arg7[%arg1, %dma_start3A_25] : memref<16x10240xf32, #tpu.memory_space<vmem_shared>> -> memref<1x10240xf32, #tpu.memory_space<vmem_shared>>
      %dma_start3A_27 = tpu.memref_squeeze %dma_start3A_26 : memref<1x10240xf32, #tpu.memory_space<vmem_shared>> -> memref<10240xf32, #tpu.memory_space<vmem_shared>>
      tpu.enqueue_dma source(%arg4 : memref<10240xf32, #tpu.memory_space<vmem>>) target(%dma_start3A_27 : memref<10240xf32, #tpu.memory_space<vmem_shared>>) target_semaphore(%run_scoped3A : memref<!tpu.dma_semaphore, #tpu.memory_space<semaphore_mem>>)
      %dma_wait3A = arith.constant 0 : i32
      %dma_wait3A_28 = tpu.memref_slice %arg7[%arg1, %dma_wait3A] : memref<16x10240xf32, #tpu.memory_space<vmem_shared>> -> memref<1x10240xf32, #tpu.memory_space<vmem_shared>>
      %dma_wait3A_29 = tpu.memref_squeeze %dma_wait3A_28 : memref<1x10240xf32, #tpu.memory_space<vmem_shared>> -> memref<10240xf32, #tpu.memory_space<vmem_shared>>
      %dma_wait3A_30 = arith.constant 0 : i32
      %dma_wait3A_31 = tpu.memref_slice %arg7[%arg1, %dma_wait3A_30] : memref<16x10240xf32, #tpu.memory_space<vmem_shared>> -> memref<1x10240xf32, #tpu.memory_space<vmem_shared>>
      %dma_wait3A_32 = tpu.memref_squeeze %dma_wait3A_31 : memref<1x10240xf32, #tpu.memory_space<vmem_shared>> -> memref<10240xf32, #tpu.memory_space<vmem_shared>>
      tpu.wait_dma2 semaphore(%run_scoped3A : memref<!tpu.dma_semaphore, #tpu.memory_space<semaphore_mem>>) src(%arg4 : memref<10240xf32, #tpu.memory_space<vmem>>) dst(%dma_wait3A_32 : memref<10240xf32, #tpu.memory_space<vmem_shared>>)
      tpu.yield
    }) : () -> ()
    %barrier3A = arith.constant 0 : index
    tpu.barrier barrier_id(%barrier3A)
    %mul3A_16 = arith.constant 640 : i32
    %mul3A_17 = arith.muli %arg1, %mul3A_16 : i32
    "tpu.region"() ({
      %run_scoped3A = tpu.sem_alloc : memref<!tpu.dma_semaphore, #tpu.memory_space<semaphore_mem>>
      %dma_start3A = arith.constant 0 : i32
      %dma_start3A_23 = tpu.memref_slice %arg7[%dma_start3A, %mul3A_17] : memref<16x10240xf32, #tpu.memory_space<vmem_shared>> -> memref<16x640xf32, #tpu.memory_space<vmem_shared>>
      %dma_start3A_24 = arith.constant 0 : i32
      %dma_start3A_25 = tpu.memref_slice %arg7[%dma_start3A_24, %mul3A_17] : memref<16x10240xf32, #tpu.memory_space<vmem_shared>> -> memref<16x640xf32, #tpu.memory_space<vmem_shared>>
      tpu.enqueue_dma source(%dma_start3A_25 : memref<16x640xf32, #tpu.memory_space<vmem_shared>>) target(%arg6 : memref<16x640xf32, #tpu.memory_space<vmem>>) target_semaphore(%run_scoped3A : memref<!tpu.dma_semaphore, #tpu.memory_space<semaphore_mem>>)
      %dma_wait3A = arith.constant 0 : i32
      %dma_wait3A_26 = tpu.memref_slice %arg7[%dma_wait3A, %mul3A_17] : memref<16x10240xf32, #tpu.memory_space<vmem_shared>> -> memref<16x640xf32, #tpu.memory_space<vmem_shared>>
      %dma_wait3A_27 = arith.constant 0 : i32
      %dma_wait3A_28 = tpu.memref_slice %arg7[%dma_wait3A_27, %mul3A_17] : memref<16x10240xf32, #tpu.memory_space<vmem_shared>> -> memref<16x640xf32, #tpu.memory_space<vmem_shared>>
      tpu.wait_dma2 semaphore(%run_scoped3A : memref<!tpu.dma_semaphore, #tpu.memory_space<semaphore_mem>>) src(%dma_wait3A_28 : memref<16x640xf32, #tpu.memory_space<vmem_shared>>) dst(%arg6 : memref<16x640xf32, #tpu.memory_space<vmem>>)
      tpu.yield
    }) : () -> ()
    %scan3A_18 = arith.constant 0 : i32
    %scan3A_19 = arith.constant 40 : i32
    %scan3A_20 = arith.addi %scan3A_18, %scan3A_19 : i32
    %scan3A_21 = arith.constant 1 : i32
    scf.for %scan3A_23 = %scan3A_18 to %scan3A_20 step %scan3A_21  : i32 {
      %mul3A_24 = arith.constant 16 : i32
      %mul3A_25 = arith.muli %scan3A_23, %mul3A_24 : i32
      %add3A_26 = arith.constant 0 : i32
      %add3A_27 = arith.addi %add3A_26, %mul3A_25 : i32
      %get3A_28 = arith.constant 0 : i32
      %get3A_29 = arith.index_cast %get3A_28 : i32 to index
      %get3A_30 = arith.index_cast %add3A_27 : i32 to index
      %get3A_31 = tpu.vector_load %arg6[%get3A_29, %get3A_30] {strides = array<i32>} : memref<16x640xf32, #tpu.memory_space<vmem>>, vector<16xf32>,
      %get3A_32 = arith.constant 1 : i32
      %get3A_33 = arith.index_cast %get3A_32 : i32 to index
      %get3A_34 = arith.index_cast %add3A_27 : i32 to index
      %get3A_35 = tpu.vector_load %arg6[%get3A_33, %get3A_34] {strides = array<i32>} : memref<16x640xf32, #tpu.memory_space<vmem>>, vector<16xf32>,
      %add3A_36 = arith.addf %get3A_31, %get3A_35 : vector<16xf32>
      %get3A_37 = arith.constant 2 : i32
      %get3A_38 = arith.index_cast %get3A_37 : i32 to index
      %get3A_39 = arith.index_cast %add3A_27 : i32 to index
      %get3A_40 = tpu.vector_load %arg6[%get3A_38, %get3A_39] {strides = array<i32>} : memref<16x640xf32, #tpu.memory_space<vmem>>, vector<16xf32>,
      %add3A_41 = arith.addf %add3A_36, %get3A_40 : vector<16xf32>
      %get3A_42 = arith.constant 3 : i32
      %get3A_43 = arith.index_cast %get3A_42 : i32 to index
      %get3A_44 = arith.index_cast %add3A_27 : i32 to index
      %get3A_45 = tpu.vector_load %arg6[%get3A_43, %get3A_44] {strides = array<i32>} : memref<16x640xf32, #tpu.memory_space<vmem>>, vector<16xf32>,
      %add3A_46 = arith.addf %add3A_41, %get3A_45 : vector<16xf32>
      %get3A_47 = arith.constant 4 : i32
      %get3A_48 = arith.index_cast %get3A_47 : i32 to index
      %get3A_49 = arith.index_cast %add3A_27 : i32 to index
      %get3A_50 = tpu.vector_load %arg6[%get3A_48, %get3A_49] {strides = array<i32>} : memref<16x640xf32, #tpu.memory_space<vmem>>, vector<16xf32>,
      %add3A_51 = arith.addf %add3A_46, %get3A_50 : vector<16xf32>
      %get3A_52 = arith.constant 5 : i32
      %get3A_53 = arith.index_cast %get3A_52 : i32 to index
      %get3A_54 = arith.index_cast %add3A_27 : i32 to index
      %get3A_55 = tpu.vector_load %arg6[%get3A_53, %get3A_54] {strides = array<i32>} : memref<16x640xf32, #tpu.memory_space<vmem>>, vector<16xf32>,
      %add3A_56 = arith.addf %add3A_51, %get3A_55 : vector<16xf32>
      %get3A_57 = arith.constant 6 : i32
      %get3A_58 = arith.index_cast %get3A_57 : i32 to index
      %get3A_59 = arith.index_cast %add3A_27 : i32 to index
      %get3A_60 = tpu.vector_load %arg6[%get3A_58, %get3A_59] {strides = array<i32>} : memref<16x640xf32, #tpu.memory_space<vmem>>, vector<16xf32>,
      %add3A_61 = arith.addf %add3A_56, %get3A_60 : vector<16xf32>
      %get3A_62 = arith.constant 7 : i32
      %get3A_63 = arith.index_cast %get3A_62 : i32 to index
      %get3A_64 = arith.index_cast %add3A_27 : i32 to index
      %get3A_65 = tpu.vector_load %arg6[%get3A_63, %get3A_64] {strides = array<i32>} : memref<16x640xf32, #tpu.memory_space<vmem>>, vector<16xf32>,
      %add3A_66 = arith.addf %add3A_61, %get3A_65 : vector<16xf32>
      %get3A_67 = arith.constant 8 : i32
      %get3A_68 = arith.index_cast %get3A_67 : i32 to index
      %get3A_69 = arith.index_cast %add3A_27 : i32 to index
      %get3A_70 = tpu.vector_load %arg6[%get3A_68, %get3A_69] {strides = array<i32>} : memref<16x640xf32, #tpu.memory_space<vmem>>, vector<16xf32>,
      %add3A_71 = arith.addf %add3A_66, %get3A_70 : vector<16xf32>
      %get3A_72 = arith.constant 9 : i32
      %get3A_73 = arith.index_cast %get3A_72 : i32 to index
      %get3A_74 = arith.index_cast %add3A_27 : i32 to index
      %get3A_75 = tpu.vector_load %arg6[%get3A_73, %get3A_74] {strides = array<i32>} : memref<16x640xf32, #tpu.memory_space<vmem>>, vector<16xf32>,
      %add3A_76 = arith.addf %add3A_71, %get3A_75 : vector<16xf32>
      %get3A_77 = arith.constant 10 : i32
      %get3A_78 = arith.index_cast %get3A_77 : i32 to index
      %get3A_79 = arith.index_cast %add3A_27 : i32 to index
      %get3A_80 = tpu.vector_load %arg6[%get3A_78, %get3A_79] {strides = array<i32>} : memref<16x640xf32, #tpu.memory_space<vmem>>, vector<16xf32>,
      %add3A_81 = arith.addf %add3A_76, %get3A_80 : vector<16xf32>
      %get3A_82 = arith.constant 11 : i32
      %get3A_83 = arith.index_cast %get3A_82 : i32 to index
      %get3A_84 = arith.index_cast %add3A_27 : i32 to index
      %get3A_85 = tpu.vector_load %arg6[%get3A_83, %get3A_84] {strides = array<i32>} : memref<16x640xf32, #tpu.memory_space<vmem>>, vector<16xf32>,
      %add3A_86 = arith.addf %add3A_81, %get3A_85 : vector<16xf32>
      %get3A_87 = arith.constant 12 : i32
      %get3A_88 = arith.index_cast %get3A_87 : i32 to index
      %get3A_89 = arith.index_cast %add3A_27 : i32 to index
      %get3A_90 = tpu.vector_load %arg6[%get3A_88, %get3A_89] {strides = array<i32>} : memref<16x640xf32, #tpu.memory_space<vmem>>, vector<16xf32>,
      %add3A_91 = arith.addf %add3A_86, %get3A_90 : vector<16xf32>
      %get3A_92 = arith.constant 13 : i32
      %get3A_93 = arith.index_cast %get3A_92 : i32 to index
      %get3A_94 = arith.index_cast %add3A_27 : i32 to index
      %get3A_95 = tpu.vector_load %arg6[%get3A_93, %get3A_94] {strides = array<i32>} : memref<16x640xf32, #tpu.memory_space<vmem>>, vector<16xf32>,
      %add3A_96 = arith.addf %add3A_91, %get3A_95 : vector<16xf32>
      %get3A_97 = arith.constant 14 : i32
      %get3A_98 = arith.index_cast %get3A_97 : i32 to index
      %get3A_99 = arith.index_cast %add3A_27 : i32 to index
      %get3A_100 = tpu.vector_load %arg6[%get3A_98, %get3A_99] {strides = array<i32>} : memref<16x640xf32, #tpu.memory_space<vmem>>, vector<16xf32>,
      %add3A_101 = arith.addf %add3A_96, %get3A_100 : vector<16xf32>
      %get3A_102 = arith.constant 15 : i32
      %get3A_103 = arith.index_cast %get3A_102 : i32 to index
      %get3A_104 = arith.index_cast %add3A_27 : i32 to index
      %get3A_105 = tpu.vector_load %arg6[%get3A_103, %get3A_104] {strides = array<i32>} : memref<16x640xf32, #tpu.memory_space<vmem>>, vector<16xf32>,
      %add3A_106 = arith.addf %add3A_101, %get3A_105 : vector<16xf32>
      %swap3A = arith.index_cast %add3A_27 : i32 to index
      %swap3A_107 = tpu.vector_load %arg4[%swap3A] {strides = array<i32>} : memref<10240xf32, #tpu.memory_space<vmem>>, vector<16xf32>,
      tpu.vector_store %arg4[%swap3A], %add3A_106 {strides = array<i32>} : memref<10240xf32, #tpu.memory_space<vmem>>, vector<16xf32>,
    }
    %scan3A_22 = arith.constant 40 : i32
    "tpu.region"() ({
      %run_scoped3A = tpu.sem_alloc : memref<!tpu.dma_semaphore, #tpu.memory_space<semaphore_mem>>
      %dma_start3A = arith.constant 0 : i32
      %dma_start3A_23 = tpu.memref_slice %arg4[%dma_start3A] : memref<10240xf32, #tpu.memory_space<vmem>> -> memref<640xf32, #tpu.memory_space<vmem>>
      %dma_start3A_24 = arith.constant 0 : i32
      %dma_start3A_25 = tpu.memref_slice %arg3[%arg0, %dma_start3A_24] : memref<2x10240xf32, #tpu.memory_space<hbm>> -> memref<1x10240xf32, #tpu.memory_space<hbm>>
      %dma_start3A_26 = tpu.memref_squeeze %dma_start3A_25 : memref<1x10240xf32, #tpu.memory_space<hbm>> -> memref<10240xf32, #tpu.memory_space<hbm>>
      %dma_start3A_27 = tpu.memref_slice %dma_start3A_26[%mul3A_17] : memref<10240xf32, #tpu.memory_space<hbm>> -> memref<640xf32, #tpu.memory_space<hbm>>
      %dma_start3A_28 = arith.constant 0 : i32
      %dma_start3A_29 = tpu.memref_slice %arg3[%arg0, %dma_start3A_28] : memref<2x10240xf32, #tpu.memory_space<hbm>> -> memref<1x10240xf32, #tpu.memory_space<hbm>>
      %dma_start3A_30 = tpu.memref_squeeze %dma_start3A_29 : memref<1x10240xf32, #tpu.memory_space<hbm>> -> memref<10240xf32, #tpu.memory_space<hbm>>
      %dma_start3A_31 = tpu.memref_slice %dma_start3A_30[%mul3A_17] : memref<10240xf32, #tpu.memory_space<hbm>> -> memref<640xf32, #tpu.memory_space<hbm>>
      %dma_start3A_32 = arith.constant 0 : i32
      %dma_start3A_33 = tpu.memref_slice %arg4[%dma_start3A_32] : memref<10240xf32, #tpu.memory_space<vmem>> -> memref<640xf32, #tpu.memory_space<vmem>>
      tpu.enqueue_dma source(%dma_start3A_33 : memref<640xf32, #tpu.memory_space<vmem>>) target(%dma_start3A_31 : memref<640xf32, #tpu.memory_space<hbm>>) target_semaphore(%run_scoped3A : memref<!tpu.dma_semaphore, #tpu.memory_space<semaphore_mem>>)
      %dma_wait3A = arith.constant 0 : i32
      %dma_wait3A_34 = tpu.memref_slice %arg4[%dma_wait3A] : memref<10240xf32, #tpu.memory_space<vmem>> -> memref<640xf32, #tpu.memory_space<vmem>>
      %dma_wait3A_35 = arith.constant 0 : i32
      %dma_wait3A_36 = tpu.memref_slice %arg3[%arg0, %dma_wait3A_35] : memref<2x10240xf32, #tpu.memory_space<hbm>> -> memref<1x10240xf32, #tpu.memory_space<hbm>>
      %dma_wait3A_37 = tpu.memref_squeeze %dma_wait3A_36 : memref<1x10240xf32, #tpu.memory_space<hbm>> -> memref<10240xf32, #tpu.memory_space<hbm>>
      %dma_wait3A_38 = tpu.memref_slice %dma_wait3A_37[%mul3A_17] : memref<10240xf32, #tpu.memory_space<hbm>> -> memref<640xf32, #tpu.memory_space<hbm>>
      %dma_wait3A_39 = arith.constant 0 : i32
      %dma_wait3A_40 = tpu.memref_slice %arg3[%arg0, %dma_wait3A_39] : memref<2x10240xf32, #tpu.memory_space<hbm>> -> memref<1x10240xf32, #tpu.memory_space<hbm>>
      %dma_wait3A_41 = tpu.memref_squeeze %dma_wait3A_40 : memref<1x10240xf32, #tpu.memory_space<hbm>> -> memref<10240xf32, #tpu.memory_space<hbm>>
      %dma_wait3A_42 = tpu.memref_slice %dma_wait3A_41[%mul3A_17] : memref<10240xf32, #tpu.memory_space<hbm>> -> memref<640xf32, #tpu.memory_space<hbm>>
      %dma_wait3A_43 = arith.constant 0 : i32
      %dma_wait3A_44 = tpu.memref_slice %arg4[%dma_wait3A_43] : memref<10240xf32, #tpu.memory_space<vmem>> -> memref<640xf32, #tpu.memory_space<vmem>>
      tpu.wait_dma2 semaphore(%run_scoped3A : memref<!tpu.dma_semaphore, #tpu.memory_space<semaphore_mem>>) src(%dma_wait3A_44 : memref<640xf32, #tpu.memory_space<vmem>>) dst(%dma_wait3A_42 : memref<640xf32, #tpu.memory_space<hbm>>)
      tpu.yield
    }) : () -> ()
    return
  }
}

</mosaic_0001>

<sc_bundles>
// kernel: _degree_sc.3.cloned.1.call-start
scs
__scs_entry_jumppad:
0x0: {  	(pc) =	sbr.rel $0x88, $3  }
0x1: {  	(tag) =	ssettag $0x0;
	lr =	simm.s32 $0x1  }
0x2: {  	[smem:$0x3FA0] =	sst lr;
	_ =	strace $0xD0000000  }
0x3: {  	_ = 	snop  }
0x4: {  	_ = 	snop  }
0x5: {  	_ = 	snop  }
0x6: {  	_ = 	snop  }
0x7: {  	_ = 	snop  }
__scs_overlays_trampoline_lowered:
0x8: {  	[smem:$0x3FAF] =	sst s0  }
0x9: {  	[smem:$0x3FB0] =	sst s1  }
0xa: {  	[smem:$0x3FB1] =	sst s2  }
0xb: {  	[smem:$0x3FB2] =	sst s3  }
0xc: {  	[smem:$0x3FB3] =	sst s4  }
0xd: {  	[smem:$0x3FB4] =	sst s5  }
0xe: {  	[smem:$0x3FB5] =	sst s6  }
0xf: {  	[smem:$0x3FB6] =	sst s7  }
0x10: {  	[smem:$0x3FB7] =	sst s8  }
0x11: {  	[smem:$0x3FB8] =	sst s9;
	s0 =	simm.s32 @!p0 $0x0  }
0x12: {  	s1 =	sld [smem:$0x3F9E];
	s0 =	simm.s32 @p0 $0x1  }
0x13: {  	[smem:$0x3FB9] =	sst s0;
	s0 =	simm.s32 @!p1 $0x0  }
0x14: {  	s2 =	sld [smem:$0x3F9D];
	s0 =	simm.s32 @p1 $0x1  }
0x15: {  	[smem:$0x3FBA] =	sst s0;
	s0 =	simm.s32 @!p2 $0x0  }
0x16: {  	s3 =	sld [smem:$0x3FDB];
	s0 =	simm.s32 @p2 $0x1  }
0x17: {  	s4 =	simm.s32 $0x1BF5;
	[smem:$0x3FBC] =	sst s0  }
0x18: {  	s0 =	sld [smem:$0x3F9F];
	_ =	swait.ge [sflag:s4], $0x0  }
0x19: {  	s7 =	sld [smem:$0x3FA0]  }
0x1a: {  	s8 =	sadd.s32 $0xFFFFE003, lr  }
0x1b: {  	s9 =	sadd.s32 $0xFFFFFEF7, lr;
	s5 =	simm.s32 $0xFFFFFFFF;
	p2 =	slt.u32 s8, $0xFFFFF086  }
0x1c: {  	p1 =	slt.u32 s9, $0xF7A;
	s5 =	simm.s32 @!p2 $0x0  }
0x1d: {  	s5 =	simm.s32 @p1 $0x1;
	p0 =	seq.s32 s7, s2  }
0x1e: {  	s7 =	smul.u32 @!p0 $0xF7A, s2;
	p2 =	seq.s32 @!p0 s5, $0x0  }
0x1f: {  	s9 =	smul.u32 $0xF7A, s1;
	s8 =	simm.s32 @!p0 $0x1BF5;
	p2 =	por !p2, p0  }
0x20: {  	[sflag:s8] =	ssyncset.s32 @!p0 $0xFFFFF086;
	s6 =	sadd.s32 @!p0 s3, s7;
	s7 =	simm.s32 @!p0 $0x108  }
0x21: {  	s3 =	sadd.s32 s3, s9;
	s6 =	sadd.s32 @!p0 $0x88, s6;
	s7 =	simm.s32 @p2 $0x1082  }
0x22: {  	[simem:s7], [sflag:s8] =	dma.local @!p0 [hbm:s6], $0xF7A  }
0x23: {  	s9 =	sor.u32 $0xD0000000, s2;
	s6 =	simm.s32 $0x108;
	_ =	swait.ge @!p0 [sflag:s8], $0x0  }
0x24: {  	s3 =	sadd.s32 $0x88, s3;
	s6 =	simm.s32 @!p1 $0x1082;
	[sflag:s4] =	ssyncset.s32 $0xFFFFF086  }
0x25: {  	[simem:s6], [sflag:s4] =	dma.local [hbm:s3], $0xF7A  }
0x26: {  	[smem:$0x3FA0] =	sst s1;
	(tag) =	ssettag s2;
	_ =	strace s9  }
0x27: {  	s1 =	sld [smem:$0x3FB0]  }
0x28: {  	s2 =	sld [smem:$0x3FB1]  }
0x29: {  	s4 =	sld [smem:$0x3FB3]  }
0x2a: {  	p0 =	seq.s32 s5, $0x0;
	s5 =	sld [smem:$0x3FB4]  }
0x2b: {  	s6 =	sld [smem:$0x3FB5]  }
0x2c: {  	s7 =	sld [smem:$0x3FB6]  }
0x2d: {  	s3 =	simm.s32 $0x108;
	s8 =	sld [smem:$0x3FB7]  }
0x2e: {  	s3 =	simm.s32 @!p0 $0x1082;
	s9 =	sld [smem:$0x3FB8]  }
0x2f: {  	lr =	sadd.s32 s0, s3;
	s0 =	sld [smem:$0x3FAF]  }
0x30: {  	s3 =	sld [smem:$0x3FB2]  }
0x31: {  	[smem:$0x3FBB] =	sst s10  }
0x32: {  	s10 =	sld [smem:$0x3FB9];
	_ =	sdelay $0x3  }
0x33: {  	p0 =	seq.s32 s10, $0x1;
	s10 =	sld [smem:$0x3FBB];
	_ =	sdelay $0x3  }
0x34: {  	[smem:$0x3FBB] =	sst s10  }
0x35: {  	s10 =	sld [smem:$0x3FBA];
	_ =	sdelay $0x3  }
0x36: {  	p1 =	seq.s32 s10, $0x1;
	s10 =	sld [smem:$0x3FBB];
	_ =	sdelay $0x3  }
0x37: {  	[smem:$0x3FBB] =	sst s10  }
0x38: {  	s10 =	sld [smem:$0x3FBC]  }
0x39: {  	_ = 	snop;
	(pc) =	sbr.ind lr, $3  }
0x3a: {  	_ = 	snop  }
0x3b: {  	_ = 	snop  }
0x3c: {  	p2 =	seq.s32 s10, $0x1;
	s10 =	sld [smem:$0x3FBB]  }
0x3d: {  	_ =	shalt  }
0x3e: {  	_ =	shalt  }
0x3f: {  	_ =	shalt  }
0x40: {  	_ =	shalt  }
0x41: {  	_ =	shalt  }
0x42: {  	_ =	shalt  }
0x43: {  	_ =	shalt  }
0x44: {  	_ =	shalt  }
0x45: {  	_ =	shalt  }
0x46: {  	_ =	shalt  }
0x47: {  	_ =	shalt  }
0x48: {  	_ =	shalt  }
0x49: {  	_ =	shalt  }
0x4a: {  	_ =	shalt  }
0x4b: {  	_ =	shalt  }
0x4c: {  	_ =	shalt  }
0x4d: {  	_ =	shalt  }
0x4e: {  	_ =	shalt  }
0x4f: {  	_ =	shalt  }
0x50: {  	_ =	shalt  }
0x51: {  	_ =	shalt  }
0x52: {  	_ =	shalt  }
0x53: {  	_ =	shalt  }
0x54: {  	_ =	shalt  }
0x55: {  	_ =	shalt  }
0x56: {  	_ =	shalt  }
0x57: {  	_ =	shalt  }
0x58: {  	_ =	shalt  }
0x59: {  	_ =	shalt  }
0x5a: {  	_ =	shalt  }
0x5b: {  	_ =	shalt  }
0x5c: {  	_ =	shalt  }
0x5d: {  	_ =	shalt  }
0x5e: {  	_ =	shalt  }
0x5f: {  	_ =	shalt  }
0x60: {  	_ =	shalt  }
0x61: {  	_ =	shalt  }
0x62: {  	_ =	shalt  }
0x63: {  	_ =	shalt  }
0x64: {  	_ =	shalt  }
0x65: {  	_ =	shalt  }
0x66: {  	_ =	shalt  }
0x67: {  	_ =	shalt  }
0x68: {  	_ =	shalt  }
0x69: {  	_ =	shalt  }
0x6a: {  	_ =	shalt  }
0x6b: {  	_ =	shalt  }
0x6c: {  	_ =	shalt  }
0x6d: {  	_ =	shalt  }
0x6e: {  	_ =	shalt  }
0x6f: {  	_ =	shalt  }
0x70: {  	_ =	shalt  }
0x71: {  	_ =	shalt  }
0x72: {  	_ =	shalt  }
0x73: {  	_ =	shalt  }
0x74: {  	_ =	shalt  }
0x75: {  	_ =	shalt  }
0x76: {  	_ =	shalt  }
0x77: {  	_ =	shalt  }
0x78: {  	_ =	shalt  }
0x79: {  	_ =	shalt  }
0x7a: {  	_ =	shalt  }
0x7b: {  	_ =	shalt  }
0x7c: {  	_ =	shalt  }
0x7d: {  	_ =	shalt  }
0x7e: {  	_ =	shalt  }
0x7f: {  	_ =	shalt  }
0x80: {  	_ =	shalt  }
0x81: {  	_ =	shalt  }
0x82: {  	_ =	shalt  }
0x83: {  	_ =	shalt  }
0x84: {  	_ =	shalt  }
0x85: {  	_ =	shalt  }
0x86: {  	_ =	shalt  }
0x87: {  	_ =	shalt  }
.Lfunc_end0:
.L_simem_size_0:
called_computation_lowered:
.L_overlay_start_0:
0x88: {  	s2 =	sld [smem:$0x3FD9]  }
0x89: {  	s3 =	sld [smem:$0x3FFE];
	_ =	sdelay $0x1  }
0x8a: {  	s1 =	srdreg.scid  }
0x8b: {  	s0 =	sand.u32 $0x1, s1  }
0x8c: {  	s18 =	sshll.u32 s0, $0xA;
	s2 =	sadd.s32 s3, s2  }
0x8d: {  	s2 =	sadd.s32 s2, s18  }
0x8e: {  	[smem:$0x3FC7] =	sst s2  }
0x8f: {  	_ = 	snop  }
0x90: {  	s2 =	sld [smem:$0x3FC9]  }
0x91: {  	s19 =	sld [smem:$0x3FD0];
	(tm) =	ssettm $0x1  }
0x92: {  	s4 =	sld [smem:$0x3FFB];
	_ =	sdelay $0x3  }
0x93: {  	_ =	strace s4  }
0x94: {  	s4 =	sld [smem:$0x3FFC];
	_ =	sdelay $0x3  }
0x95: {  	_ =	strace s4  }
0x96: {  	s4 =	sld [smem:$0x3FFD];
	_ =	sdelay $0x3  }
0x97: {  	_ =	strace s4  }
0x98: {  	_ =	strace $0x8FFFFFFF  }
0x99: {  	s20 =	sld [smem:$0x3FDB];
	_ =	sdelay $0x1  }
0x9a: {  	s5 =	simm.s32 $_scs_section_size  }
0x9b: {  	s6 =	simm.s32 $_size__tile_overlayer_lowered;
	s7 =	simm.s32 $_tile_overlayer_lowered  }
0x9c: {  	s23 =	simm.s32 $0x1BFF;
	s22 =	sshll.u32 s7, $0x1;
	s4 =	sadd.s32 s5, s20  }
0x9d: {  	s8 =	simm.s32 $0x0;
	s21 =	sshll.u32 s6, $0x1;
	s6 =	sadd.s32 s22, s4  }
0x9e: {  	[timem:s8], [sflag:s23] =	dma.local [hbm:s6], s21  }
0x9f: {  	_ =	swait.ge [sflag:s23], s21  }
0xa0: {  	s5 =	ssub.s32 $0x0, s21;
	[sflag:s23] =	ssyncset.done $0x0  }
0xa1: {  	[sflag:s23] =	ssyncadd.s32 s5;
	_ =	sdelay $0x1  }
0xa2: {  	s24 =	simm.s32 $0x1B8B  }
0xa3: {  	_ =	swait.ge [sflag:s24], $0x1  }
0xa4: {  	[sflag:s24] =	ssyncset.done $0x0  }
0xa5: {  	s25 =	simm.s32 $0x1B8E;
	[sflag:s24] =	ssyncadd.s32 $0xFFFFFFFF  }
0xa6: {  	s26 =	simm.s32 $execute0_lowered;
	[smem:$0x3FD2] =	sst s25  }
0xa7: {  	s5 =	sshll.u32 s26, $0x1;
	_ =	strace $0x80000046;
	[dreg:$0x1] =	wrdreg $0xFFFFFFFF  }
0xa8: {  	s28 =	simm.s32 $_size_execute0_lowered;
	s4 =	sadd.s32 s4, s5;
	[dreg:$0x0] =	wrdreg $0x0  }
0xa9: {  	s5 =	sshll.u32 s28, $0x1;
	[dreg:$0x2] =	wrdreg s4  }
0xaa: {  	[dreg:$0x3] =	wrdreg s5  }
0xab: {  	[dreg:$0x4] =	wrdreg $0xC0  }
0xac: {  	_ =	task [dreg:s8], $0x5FFFF  }
0xad: {  	[dreg:$0x1] =	wrdreg $0xFFFFFFFF  }
0xae: {  	[dreg:$0x0] =	wrdreg $0x60  }
0xaf: {  	[dreg:$0x2] =	wrdreg s2  }
0xb0: {  	[dreg:$0x3] =	wrdreg s19  }
0xb1: {  	[dreg:$0x4] =	wrdreg $0x64000  }
0xb2: {  	[dreg:$0x5] =	wrdreg $0x9  }
0xb3: {  	_ =	task.clear_ibuf [dreg:s8], $0x6FFFF;
	_ =	strace $0x90000046  }
0xb4: {  	s29 =	simm.s32 $0x9;
	_ =	strace $0x80000048  }
0xb5: {  	_ =	swait.ge [sflag:s29], $0x1  }
0xb6: {  	[sflag:s29] =	ssyncadd.s32 $0xFFFFFFFF  }
0xb7: {  	_ =	strace $0x90000048  }
0xb8: {  	_ =	sfence  }
0xb9: {  	s30 =	sld [smem:$0x0];
	_ =	sdelay $0x2  }
0xba: {  	s31 =	sshll.u32 s1, $0xD;
	s1 =	sshrl.u32 s1, $0x2  }
0xbb: {  	s3 =	sand.u32 $0x4000, s31;
	s1 =	sadd.s32 s1, s30  }
0xbc: {  	s0 =	sor.u32 s3, s0;
	s1 =	sshll.u32 s1, $0x11  }
0xbd: {  	s0 =	sor.u32 s1, s0  }
0xbe: {  	s0 =	sadd.s32 $0x8F2B, s0  }
0xbf: {  	[sflag:s0] =	ssyncadd.remote.s32 $0x1  }
0xc0: {  	_ =	sfence.sel $0xFFFF  }
0xc1: {  	[dreg:$0x0] =	wrdreg $0xFFFFFFFF;
	(pc) =	sbr.abs _section_cstart, $3  }
0xc2: {  	[dreg:$0x1] =	wrdreg $0xFFFFFFFF  }
0xc3: {  	_ =	task.clear_ibuf [dreg:s8], $0x2FFFF;
	_ =	strace $0x9FFFFFFF  }
0xc4: {  	(tm) =	ssettm $0x7FFFFFFF  }
0xc5: {  	_ =	shalt  }
tec
execute0_lowered:
.L_overlay_start_1:
0x0: {  	(tag) =	ssettag $0x1  }
0x1: {  	s3 =	rddreg [dreg:$0x0]  }
0x2: {  	s6 =	rddreg [dreg:$0x1]  }
0x3: {  	s0 =	srdreg.scid;
	s5 =	rddreg [dreg:$0x2]  }
0x4: {  	s1 =	stileid.u32;
	s2 =	simm.s32 $0x0;
	s12 =	simm.s32 $0x14000  }
0x5: {  	s13 =	simm.s32 $0x3C00;
	s16 =	simm.s32 $0x0;
	s4 =	sand.u32 $0x1, s0  }
0x6: {  	s0 =	rddreg [dreg:$0x3];
	s9 =	sshrl.u32 s1, $0x3;
	s30 =	smul.u32 $0x5000, s1  }
0x7: {  	[smem:$0x7FF] =	sst s2;
	s31 =	sshll.u32 s1, $0x7;
	s15 =	smul.u32 $0xA0, s1  }
0x8: {  	s7 =	sshll.u32 s4, $0x4;
	s4 =	ssub.s32 $0x2, s4;
	s9 =	smul.u32 $0x50000, s9  }
0x9: {  	_ =	strace $0x80000047;
	s8 =	sor.u32 s1, s7;
	s10 =	sshrl.u32 s4, $0x1  }
0xa: {  	s11 =	sshrl.u32 s30, $0x2;
	s14 =	sadd.s32 s6, s7;
	s7 =	simm.s32 $0x2800  }
0xb: {  	s8 =	smul.u32 $0x271, s8;
	s10 =	ssub.s32 s4, s10;
	s9 =	sshrl.u32 s9, $0x2  }
0xc: {  	s14 =	sadd.s32 s15, s14;
	s15 =	simm.s32 $0x100;
	s9 =	sadd.s32 s9, s5  }
0xd: {  	s5 =	sadd.s32 s11, s5;
	s6 =	smax.u32 s10, $0x1;
	s10 =	simm.s32 $0x400  }
0xe: {  	s11 =	simm.s32 $0x1400;
	s3 =	sadd.s32 s3, s8;
	s8 =	sand.u32 $0x380, s31  }
0xf: {  	v0 =	vimm.f32 $0.0e+00;
	v1 =	vimm.f32 $1.000000000e+00;
	vm0 =	vcmask $0x3F20;
	s4 =	sadd.s32 s8, s9;
	s8 =	simm.s32 $0x1;
	s9 =	simm.s32 $0x80  }
.LBB2_1:
0x10: {  	s17 =	simm.s32 $0x40;
	s18 =	simm.s32 $0x0  }
.LBB2_2:
0x11: {  	p0 =	sne.s32 s17, $0x9FC0;
	[tilespmem:s18+$0x0] =	vst v0;
	s18 =	smov.u32 s17;
	s17 =	sadd.s32 $0x40, s17  }
.Ltmp0:
0x12: {  	(pc) =	sbr.rel @p0 .LBB2_2-.Ltmp0, $2  }
0x13: {  	_ =	sdelay $0x2  }
0x14: {  	s18 =	sshra.s32 s18, $0x2  }
0x15: {  	[tilespmem:s18+$0x0] =	vst v0;
	s17 =	simm.s32 $0x0  }
0x16: {  	[tilespmem:s7], [sflag:$0x1] =	stream.linear.gather [hbm4b:s3+s17], $0x1388, $0x38;
	[tilespmem:$0x8C00] =	vst v63  }
0x17: {  	_ =	swait.ge [sflag:s8], $0x1388  }
0x18: {  	[sflag:s8] =	ssyncset.done $0x0  }
0x19: {  	s18 =	simm.s32 $0x0;
	s17 =	simm.s32 $0x40;
	[sflag:s8] =	ssyncadd.s32 $0xFFFFEC78  }
.LBB2_4:
0x1a: {  	p0 =	sne.s32 s17, $0x4DC0;
	v2 =	vld [tilespmem:s18+$0x2800];
	_ =	sdelay $0x3  }
.Ltmp1:
0x1b: {  	(pc) =	sbr.rel @p0 .LBB2_4-.Ltmp1, $2  }
0x1c: {  	_ =	sdelay $0x2  }
0x1d: {  	s18 =	sshra.s32 s17, $0x2;
	s17 =	sadd.s32 $0x40, s17;
	[tilespmem:v2+s2+$0x0] =	vst.idx.add.f32.msk $0xffff, v1  }
0x1e: {  	v2 =	vld [tilespmem:s18+$0x2800];
	_ =	sdelay $0x7  }
0x1f: {  	[tilespmem:v2+s2+$0x0] =	vst.idx.add.f32.msk $0xffff, v1  }
0x20: {  	v2 =	vld [tilespmem:$0x3B78];
	_ =	sdelay $0x6  }
0x21: {  	s17 =	simm.s32 $0x0  }
0x22: {  	[tilespmem:v2+s17+$0x0] =	vst.idx.add.f32.msk vm0, v1  }
0x23: {  	[spmem:s4] =	stream.strided.scatter [tilespmem:s17], [sflag:$0x1], $0x2800, s10, s9, $0x38;
	[tilespmem:$0x8C00] =	vst v63  }
0x24: {  	_ =	swait.ge [sflag:s8], $0x2800  }
0x25: {  	[sflag:s8] =	ssyncset.done $0x0  }
0x26: {  	[sflag:s8] =	ssyncadd.s32 $0xFFFFD800  }
0x27: {  	[bflag:$0x0] =	sbarrier.arrive $0xFFFF  }
0x28: {  	[tilespmem:s13], [sflag:$0x1] =	stream.strided.gather [spmem:s5], $0x2800, s12, s11, $0x38;
	[tilespmem:$0x8C00] =	vst v63  }
0x29: {  	_ =	swait.ge [sflag:s8], $0x2800  }
0x2a: {  	s30 =	sand.u32 $0x70, s17;
	s19 =	sand.u32 $0x1C00, s17;
	[sflag:s8] =	ssyncset.done $0x0  }
0x2b: {  	s18 =	sor.u32 s30, s19;
	[sflag:s8] =	ssyncadd.s32 $0xFFFFD800  }
0x2c: {  	v2 =	vld [tilespmem:s18+$0x3C80]  }
0x2d: {  	v3 =	vld [tilespmem:s18+$0x3C00];
	_ =	sdelay $0x1  }
0x2e: {  	v4 =	vld [tilespmem:s18+$0x3D00];
	_ =	sdelay $0x1  }
0x2f: {  	v5 =	vld [tilespmem:s18+$0x3D80]  }
0x30: {  	v2 =	vadd.f32 v2, v3  }
0x31: {  	v3 =	vld [tilespmem:s18+$0x3E00]  }
0x32: {  	v2 =	vadd.f32 v4, v2  }
0x33: {  	v56 =	vld [tilespmem:s18+$0x3E80]  }
0x34: {  	v2 =	vadd.f32 v5, v2  }
0x35: {  	v57 =	vld [tilespmem:s18+$0x3F00]  }
0x36: {  	v2 =	vadd.f32 v3, v2  }
0x37: {  	v3 =	vld [tilespmem:s18+$0x3F80]  }
0x38: {  	v2 =	vadd.f32 v56, v2  }
0x39: {  	v58 =	vld [tilespmem:s18+$0x5000]  }
0x3a: {  	v2 =	vadd.f32 v57, v2  }
0x3b: {  	v59 =	vld [tilespmem:s18+$0x5080]  }
0x3c: {  	v2 =	vadd.f32 v3, v2  }
0x3d: {  	v3 =	vld [tilespmem:s18+$0x5100]  }
0x3e: {  	v2 =	vadd.f32 v58, v2  }
0x3f: {  	v60 =	vld [tilespmem:s18+$0x5180]  }
0x40: {  	v2 =	vadd.f32 v59, v2  }
0x41: {  	v61 =	vld [tilespmem:s18+$0x5200]  }
0x42: {  	v2 =	vadd.f32 v3, v2  }
0x43: {  	v3 =	vld [tilespmem:s18+$0x5280]  }
0x44: {  	v2 =	vadd.f32 v60, v2  }
0x45: {  	v62 =	vld [tilespmem:s18+$0x5300]  }
0x46: {  	v2 =	vadd.f32 v61, v2  }
0x47: {  	v63 =	vld [tilespmem:s18+$0x5380]  }
0x48: {  	v2 =	vadd.f32 v3, v2;
	_ =	sdelay $0x1  }
0x49: {  	v2 =	vadd.f32 v62, v2;
	_ =	sdelay $0x1  }
0x4a: {  	s31 =	simm.s32 $0x10;
	s19 =	simm.s32 $0x80;
	v2 =	vadd.f32 v63, v2  }
0x4b: {  	s20 =	sand.u32 $0x1C00, s19;
	s18 =	sand.u32 $0x70, s31  }
0x4c: {  	s18 =	sor.u32 s18, s20;
	s20 =	simm.s32 $0x20;
	[tilespmem:s17+$0x0] =	vst v2  }
.LBB2_6:
0x4d: {  	p0 =	sne.s32 s20, $0x270;
	v2 =	vld [tilespmem:s18+$0x3C80]  }
0x4e: {  	v3 =	vld [tilespmem:s18+$0x3C00];
	_ =	sdelay $0x1  }
0x4f: {  	v4 =	vld [tilespmem:s18+$0x3D00];
	_ =	sdelay $0x1  }
0x50: {  	v5 =	vld [tilespmem:s18+$0x3D80]  }
0x51: {  	v2 =	vadd.f32 v2, v3  }
0x52: {  	v3 =	vld [tilespmem:s18+$0x3E00]  }
0x53: {  	v2 =	vadd.f32 v4, v2  }
0x54: {  	v4 =	vld [tilespmem:s18+$0x3E80]  }
0x55: {  	v2 =	vadd.f32 v5, v2  }
0x56: {  	v5 =	vld [tilespmem:s18+$0x3F00]  }
0x57: {  	v2 =	vadd.f32 v3, v2  }
0x58: {  	v3 =	vld [tilespmem:s18+$0x3F80]  }
0x59: {  	v2 =	vadd.f32 v4, v2  }
0x5a: {  	v4 =	vld [tilespmem:s18+$0x5000]  }
0x5b: {  	v2 =	vadd.f32 v5, v2  }
0x5c: {  	v5 =	vld [tilespmem:s18+$0x5080]  }
0x5d: {  	v2 =	vadd.f32 v3, v2  }
0x5e: {  	v3 =	vld [tilespmem:s18+$0x5100]  }
0x5f: {  	v2 =	vadd.f32 v4, v2  }
0x60: {  	v4 =	vld [tilespmem:s18+$0x5180]  }
0x61: {  	v2 =	vadd.f32 v5, v2  }
0x62: {  	v5 =	vld [tilespmem:s18+$0x5200]  }
0x63: {  	v2 =	vadd.f32 v3, v2  }
0x64: {  	v3 =	vld [tilespmem:s18+$0x5280]  }
0x65: {  	v2 =	vadd.f32 v4, v2  }
0x66: {  	v4 =	vld [tilespmem:s18+$0x5300]  }
0x67: {  	v2 =	vadd.f32 v5, v2  }
0x68: {  	v5 =	vld [tilespmem:s18+$0x5380]  }
0x69: {  	v2 =	vadd.f32 v3, v2;
	_ =	sdelay $0x1  }
.Ltmp2:
0x6a: {  	v2 =	vadd.f32 v4, v2;
	(pc) =	sbr.rel @p0 .LBB2_6-.Ltmp2, $4  }
0x6b: {  	_ = 	snop  }
0x6c: {  	s19 =	sadd.s32 $0x80, s19;
	v2 =	vadd.f32 v5, v2  }
0x6d: {  	s17 =	sadd.s32 $0x10, s17;
	s21 =	sand.u32 $0x1C00, s19;
	s18 =	sand.u32 $0x70, s20  }
0x6e: {  	s20 =	sadd.s32 $0x10, s20;
	s18 =	sor.u32 s18, s21;
	[tilespmem:s17+$0x0] =	vst v2  }
0x6f: {  	v2 =	vld [tilespmem:s18+$0x3C80]  }
0x70: {  	v3 =	vld [tilespmem:s18+$0x3C00];
	_ =	sdelay $0x1  }
0x71: {  	v4 =	vld [tilespmem:s18+$0x3D00];
	_ =	sdelay $0x1  }
0x72: {  	v5 =	vld [tilespmem:s18+$0x3D80]  }
0x73: {  	v2 =	vadd.f32 v2, v3  }
0x74: {  	v3 =	vld [tilespmem:s18+$0x3E00]  }
0x75: {  	v2 =	vadd.f32 v4, v2  }
0x76: {  	v56 =	vld [tilespmem:s18+$0x3E80]  }
0x77: {  	v2 =	vadd.f32 v5, v2  }
0x78: {  	v57 =	vld [tilespmem:s18+$0x3F00]  }
0x79: {  	v2 =	vadd.f32 v3, v2  }
0x7a: {  	v3 =	vld [tilespmem:s18+$0x3F80]  }
0x7b: {  	v2 =	vadd.f32 v56, v2  }
0x7c: {  	v58 =	vld [tilespmem:s18+$0x5000]  }
0x7d: {  	v2 =	vadd.f32 v57, v2  }
0x7e: {  	v59 =	vld [tilespmem:s18+$0x5080]  }
0x7f: {  	v2 =	vadd.f32 v3, v2  }
0x80: {  	v3 =	vld [tilespmem:s18+$0x5100]  }
0x81: {  	v2 =	vadd.f32 v58, v2  }
0x82: {  	v60 =	vld [tilespmem:s18+$0x5180]  }
0x83: {  	v2 =	vadd.f32 v59, v2  }
0x84: {  	v61 =	vld [tilespmem:s18+$0x5200]  }
0x85: {  	v2 =	vadd.f32 v3, v2  }
0x86: {  	v3 =	vld [tilespmem:s18+$0x5280]  }
0x87: {  	v2 =	vadd.f32 v60, v2  }
0x88: {  	v62 =	vld [tilespmem:s18+$0x5300]  }
0x89: {  	v2 =	vadd.f32 v61, v2  }
0x8a: {  	v63 =	vld [tilespmem:s18+$0x5380]  }
0x8b: {  	v2 =	vadd.f32 v3, v2;
	_ =	sdelay $0x1  }
0x8c: {  	v2 =	vadd.f32 v62, v2;
	_ =	sdelay $0x1  }
0x8d: {  	s16 =	sadd.s32 $0x1, s16;
	v2 =	vadd.f32 v63, v2  }
0x8e: {  	s17 =	sadd.s32 $0x10, s17;
	p0 =	sne.s32 s16, s6  }
.Ltmp3:
0x8f: {  	[tilespmem:s17+$0x0] =	vst v2;
	(pc) =	sbr.rel @p0 .LBB2_1-.Ltmp3, $4  }
0x90: {  	[hbm4b:s14+s9] =	stream.strided.scatter [tilespmem:s2], [sflag:$0x1], $0x280, s15, s9, $0x38;
	[tilespmem:$0x8C00] =	vst v63  }
0x91: {  	_ =	swait.ge [sflag:s8], $0x280  }
0x92: {  	[sflag:s8] =	ssyncset.done $0x0  }
0x93: {  	[sflag:s8] =	ssyncadd.s32 $0xFFFFFD80  }
0x94: {  	_ =	sfence.sel $0x180000  }
0x95: {  	[bflag:$0x0] =	sbarrier.arrive $0xFFFF  }
0x96: {  	p0 =	sne.s32 s1, $0x0;
	_ =	strace $0x90000047  }
0x97: {  	s0 =	sadd.s32 @!p0 $0x100000, s0;
	[bflag:$0x2] =	sbarrier.arrive $0xFFFF  }
0x98: {  	[sflag:s0] =	ssyncadd.tile.s32 @!p0 $0x1;
	_ =	shalt  }
.Lfunc_end2:
_tile_overlayer_lowered:
.L_overlay_start_2:
0x99: {  	(tag) =	ssettag $0x2  }
0x9a: {  	s0 =	rddreg [dreg:$0x0];
	s2 =	stileid.u32  }
0x9b: {  	s1 =	rddreg [dreg:$0x1];
	p0 =	sne.s32 s2, $0x0  }
0x9c: {  	s3 =	rddreg [dreg:$0x2];
	[bflag:$0x3] =	sbarrier.arrive $0xFFFF;
	s2 =	simm.s32 @!p0 $0x1C01  }
0x9d: {  	[timem:s3], [sflag:s2] =	dma.local @!p0 [hbm:s0], s1  }
0x9e: {  	s0 =	simm.s32 @!p0 $0x1  }
0x9f: {  	_ =	swait.ge @!p0 [sflag:s0], s1  }
0xa0: {  	s1 =	ssub.s32 @!p0 $0x0, s1;
	[sflag:s0] =	ssyncset.done @!p0 $0x0  }
0xa1: {  	[sflag:s0] =	ssyncadd.s32 @!p0 s1  }
0xa2: {  	[bflag:$0x3] =	sbarrier.arrive $0xFFFF  }
0xa3: {  	_ =	shalt  }

</sc_bundles>
